<compile_context>
chip_gen: v7x
topology: tpu7x:2x2x1
jax: 0.10.2.dev20260603
libtpu: 0.0.44.dev20260713+nightly
codegen_flags: <defaults>
</compile_context>

<pallas_src>
import functools

import jax
import jax.numpy as jnp
from jax import lax
from jax.experimental import pallas as pl
from jax.experimental.pallas import tpu as pltpu
from jax.experimental.pallas import tpu_sc as plsc

_NUM_PART = 21
_D_IN = 128
_D_HID = 16
_B = 16384
_H_ALL = _NUM_PART * _D_HID
_BLK = 4096

_NC = 2
_NS = 16
_L = 16
_NW = _NC * _NS
_CH = _B // _NW


def _heads_body(x_ref, w1_ref, b1_ref, sel2_ref, b2_ref, out_ref):
    w1 = w1_ref[...].reshape(_H_ALL, _D_IN)
    h = lax.dot_general(x_ref[...], w1, (((1,), (1,)), ((), ())),
                        preferred_element_type=jnp.float32)
    h = jnp.maximum(h + b1_ref[...], 0.0)
    o = jnp.dot(h, sel2_ref[...], preferred_element_type=jnp.float32)
    out_ref[...] = jnp.maximum(o + b2_ref[...], 0.0)


def _compute_all_heads(x, w1, b1f, sel2, b2row):
    return pl.pallas_call(
        _heads_body,
        grid=(_B // _BLK,),
        in_specs=[
            pl.BlockSpec((_BLK, _D_IN), lambda i: (i, 0)),
            pl.BlockSpec((_NUM_PART, _D_HID, _D_IN), lambda i: (0, 0, 0)),
            pl.BlockSpec((1, _H_ALL), lambda i: (0, 0)),
            pl.BlockSpec((_H_ALL, _NUM_PART), lambda i: (0, 0)),
            pl.BlockSpec((1, _NUM_PART), lambda i: (0, 0)),
        ],
        out_specs=pl.BlockSpec((_BLK, _NUM_PART), lambda i: (i, 0)),
        out_shape=jax.ShapeDtypeStruct((_B, _NUM_PART), jnp.float32),
    )(x, w1, b1f, sel2, b2row)


_sc_mesh = plsc.VectorSubcoreMesh(core_axis_name="c", subcore_axis_name="s",
                                  num_cores=_NC)


@functools.partial(
    pl.kernel,
    mesh=_sc_mesh,
    out_type=jax.ShapeDtypeStruct((_B,), jnp.float32),
    scratch_types=[
        pltpu.VMEM((_CH,), jnp.int32),
        pltpu.VMEM((_CH, _NUM_PART), jnp.float32),
        pltpu.VMEM((_CH,), jnp.float32),
        pltpu.SemaphoreType.DMA,
    ],
    compiler_params=pltpu.CompilerParams(needs_layout_passes=False),
)
def _sc_select(oall_hbm, subj_hbm, out_hbm, subj_v, tab_v, out_v, sem):
    wid = lax.axis_index("s") * _NC + lax.axis_index("c")
    base = wid * _CH
    c1 = pltpu.async_copy(subj_hbm.at[pl.ds(base, _CH)], subj_v, sem)
    c2 = pltpu.async_copy(oall_hbm.at[pl.ds(base, _CH)], tab_v, sem)
    c1.wait()
    c2.wait()

    @plsc.parallel_loop(0, _CH, _L, unroll=8)
    def _gather_loop(off):
        subj = subj_v[pl.ds(off, _L)]
        rows = lax.iota(jnp.int32, _L) + off
        out_v[pl.ds(off, _L)] = plsc.load_gather(tab_v, [rows, subj])

    pltpu.sync_copy(out_v, out_hbm.at[pl.ds(base, _CH)])


def kernel(x, SubjId, W1, b1, W2, b2):
    b1f = b1.reshape(1, _H_ALL)
    sel2 = jnp.where(
        jnp.arange(_H_ALL, dtype=jnp.int32)[:, None] // _D_HID
        == jnp.arange(_NUM_PART, dtype=jnp.int32)[None, :],
        W2.reshape(_H_ALL, 1), 0.0)
    out_all = _compute_all_heads(x, W1, b1f, sel2, b2.reshape(1, _NUM_PART))
    out = _sc_select(out_all, SubjId)
    return out.reshape(_B, 1)

# --- scband reference (transcript-rebuilt; emitter-appended) ---
"""Pipeline reference for scband-task-heads-76510547411303 (READ-ONLY COPY).

The authoritative reference and input builder live on the scoring server;
editing this copy changes nothing except your own understanding.
"""

import jax, jax.numpy as jnp
import numpy as np

NUM_PART = 21
D_IN = 128
D_HID = 16
B = 16384


def setup_inputs(seed: int = 0) -> dict:
    key = jax.random.key(seed)
    ks = jax.random.split(key, 6)
    x = jax.random.normal(ks[0], (B, D_IN), dtype=jnp.float32)
    SubjId = jax.random.randint(ks[1], (B,), 0, NUM_PART, dtype=jnp.int32)
    # Per-head parameters, stacked: reg[i] = Linear(128,16) -> ReLU -> Dropout(eval: identity) -> Linear(16,1) -> ReLU
    W1 = jax.random.normal(ks[2], (NUM_PART, D_HID, D_IN), dtype=jnp.float32) * (1.0 / np.sqrt(D_IN))
    b1 = jax.random.normal(ks[3], (NUM_PART, D_HID), dtype=jnp.float32) * (1.0 / np.sqrt(D_IN))
    W2 = jax.random.normal(ks[4], (NUM_PART, 1, D_HID), dtype=jnp.float32) * (1.0 / np.sqrt(D_HID))
    b2 = jax.random.normal(ks[5], (NUM_PART, 1), dtype=jnp.float32) * (1.0 / np.sqrt(D_HID))
    return {"x": x, "SubjId": SubjId, "W1": W1, "b1": b1, "W2": W2, "b2": b2}


def reference(x, SubjId, W1, b1, W2, b2):
    # Original torch code loops over subject ids and applies head i to rows where
    # SubjId == i, writing into out_reg. Mathematically equivalent per-token form:
    # gather each token's head parameters by SubjId and apply them.
    w1 = jnp.take(W1, SubjId, axis=0)   # [B, 16, 128] gather
    b1g = jnp.take(b1, SubjId, axis=0)  # [B, 16]
    h = jax.nn.relu(jnp.einsum('bi,bhi->bh', x, w1) + b1g)
    # Dropout(p=0.5) is identity in eval mode.
    w2 = jnp.take(W2, SubjId, axis=0)   # [B, 1, 16] gather
    b2g = jnp.take(b2, SubjId, axis=0)  # [B, 1]
    out_reg = jax.nn.relu(jnp.einsum('bh,bkh->bk', h, w2) + b2g)  # [B, 1]
    return out_reg

if __name__ == "__main__":
    import jax
    _d = setup_inputs()
    print(jax.jit(kernel)(*tuple(_d.values())))

</pallas_src>

<mosaic_0001>
#map = affine_map<(d0, d1) -> (0, 0)>
#map1 = affine_map<(d0, d1) -> (0)>
module attributes {stable_mosaic.version = 14 : i64} {
  func.func @_sc_select(%arg0: i32, %arg1: i32, %arg2: memref<16384x21xf32, #tpu.memory_space<hbm>>, %arg3: memref<16384xi32, #tpu.memory_space<hbm>>, %arg4: memref<16384xf32, #tpu.memory_space<hbm>>, %arg5: memref<512xi32, #tpu.memory_space<vmem>>, %arg6: memref<512x21xf32, #tpu.memory_space<vmem>>, %arg7: memref<512xf32, #tpu.memory_space<vmem>>, %arg8: memref<!tpu.dma_semaphore, #tpu.memory_space<semaphore_mem>>) attributes {dimension_semantics = [#tpu.dimension_semantics<core_parallel>, #tpu.dimension_semantics<subcore_parallel>], iteration_bounds = array<i64: 2, 16>, scalar_prefetch = 0 : i64, scratch_operands = 4 : i64, tpu.core_type = #tpu.core_type<sc_vector_subcore>, window_params = [{transform_indices = #map}, {transform_indices = #map1}, {transform_indices = #map1}]} {
    %mul3A = arith.constant 2 : i32
    %mul3A_0 = arith.muli %arg1, %mul3A : i32
    %add3A = arith.addi %mul3A_0, %arg0 : i32
    %mul3A_1 = arith.constant 512 : i32
    %mul3A_2 = arith.muli %add3A, %mul3A_1 : i32
    %dma_start3A = tpu.memref_slice %arg3[%mul3A_2] : memref<16384xi32, #tpu.memory_space<hbm>> -> memref<512xi32, #tpu.memory_space<hbm>>
    %dma_start3A_3 = tpu.memref_slice %arg3[%mul3A_2] : memref<16384xi32, #tpu.memory_space<hbm>> -> memref<512xi32, #tpu.memory_space<hbm>>
    tpu.enqueue_dma source(%dma_start3A_3 : memref<512xi32, #tpu.memory_space<hbm>>) target(%arg5 : memref<512xi32, #tpu.memory_space<vmem>>) target_semaphore(%arg8 : memref<!tpu.dma_semaphore, #tpu.memory_space<semaphore_mem>>)
    %dma_start3A_4 = arith.constant 0 : i32
    %dma_start3A_5 = tpu.memref_slice %arg2[%mul3A_2, %dma_start3A_4] : memref<16384x21xf32, #tpu.memory_space<hbm>> -> memref<512x21xf32, #tpu.memory_space<hbm>>
    %dma_start3A_6 = arith.constant 0 : i32
    %dma_start3A_7 = tpu.memref_slice %arg2[%mul3A_2, %dma_start3A_6] : memref<16384x21xf32, #tpu.memory_space<hbm>> -> memref<512x21xf32, #tpu.memory_space<hbm>>
    tpu.enqueue_dma source(%dma_start3A_7 : memref<512x21xf32, #tpu.memory_space<hbm>>) target(%arg6 : memref<512x21xf32, #tpu.memory_space<vmem>>) target_semaphore(%arg8 : memref<!tpu.dma_semaphore, #tpu.memory_space<semaphore_mem>>)
    %dma_wait3A = tpu.memref_slice %arg3[%mul3A_2] : memref<16384xi32, #tpu.memory_space<hbm>> -> memref<512xi32, #tpu.memory_space<hbm>>
    %dma_wait3A_8 = tpu.memref_slice %arg3[%mul3A_2] : memref<16384xi32, #tpu.memory_space<hbm>> -> memref<512xi32, #tpu.memory_space<hbm>>
    tpu.wait_dma2 semaphore(%arg8 : memref<!tpu.dma_semaphore, #tpu.memory_space<semaphore_mem>>) src(%dma_wait3A_8 : memref<512xi32, #tpu.memory_space<hbm>>) dst(%arg5 : memref<512xi32, #tpu.memory_space<vmem>>)
    %dma_wait3A_9 = arith.constant 0 : i32
    %dma_wait3A_10 = tpu.memref_slice %arg2[%mul3A_2, %dma_wait3A_9] : memref<16384x21xf32, #tpu.memory_space<hbm>> -> memref<512x21xf32, #tpu.memory_space<hbm>>
    %dma_wait3A_11 = arith.constant 0 : i32
    %dma_wait3A_12 = tpu.memref_slice %arg2[%mul3A_2, %dma_wait3A_11] : memref<16384x21xf32, #tpu.memory_space<hbm>> -> memref<512x21xf32, #tpu.memory_space<hbm>>
    tpu.wait_dma2 semaphore(%arg8 : memref<!tpu.dma_semaphore, #tpu.memory_space<semaphore_mem>>) src(%dma_wait3A_12 : memref<512x21xf32, #tpu.memory_space<hbm>>) dst(%arg6 : memref<512x21xf32, #tpu.memory_space<vmem>>)
    %parallel_loop3A = arith.constant 0 : i32
    %parallel_loop3A_13 = arith.constant 512 : i32
    %parallel_loop3A_14 = arith.constant 16 : i32
    scf.for %parallel_loop3A_15 = %parallel_loop3A to %parallel_loop3A_13 step %parallel_loop3A_14  : i32 {
      %parallel_loop3A_16 = arith.index_cast %parallel_loop3A_15 : i32 to index
      %parallel_loop3A_17 = tpu.vector_load %arg5[%parallel_loop3A_16] {strides = array<i32>} : memref<512xi32, #tpu.memory_space<vmem>>, vector<16xi32>,
      %parallel_loop3A_18 = tpu.iota {dimensions = array<i32: 0>} : vector<16xi32>
      %parallel_loop3A_19 = vector.broadcast %parallel_loop3A_15 : i32 to vector<16xi32>
      %parallel_loop3A_20 = arith.addi %parallel_loop3A_18, %parallel_loop3A_19 : vector<16xi32>
      %parallel_loop3A_21 = tpu.vector_load_idx %arg6[%parallel_loop3A_20, %parallel_loop3A_17] : memref<512x21xf32, #tpu.memory_space<vmem>>[vector<16xi32>, vector<16xi32>], vector<16xf32>,
      %parallel_loop3A_22 = arith.index_cast %parallel_loop3A_15 : i32 to index
      %parallel_loop3A_23 = tpu.vector_load %arg7[%parallel_loop3A_22] {strides = array<i32>} : memref<512xf32, #tpu.memory_space<vmem>>, vector<16xf32>,
      tpu.vector_store %arg7[%parallel_loop3A_22], %parallel_loop3A_21 {strides = array<i32>} : memref<512xf32, #tpu.memory_space<vmem>>, vector<16xf32>,
    } {sc.loop_unroll_factor = 8 : i64, sc.parallel_access}
    "tpu.region"() ({
      %run_scoped3A = tpu.sem_alloc : memref<!tpu.dma_semaphore, #tpu.memory_space<semaphore_mem>>
      %dma_start3A_15 = tpu.memref_slice %arg4[%mul3A_2] : memref<16384xf32, #tpu.memory_space<hbm>> -> memref<512xf32, #tpu.memory_space<hbm>>
      %dma_start3A_16 = tpu.memref_slice %arg4[%mul3A_2] : memref<16384xf32, #tpu.memory_space<hbm>> -> memref<512xf32, #tpu.memory_space<hbm>>
      tpu.enqueue_dma source(%arg7 : memref<512xf32, #tpu.memory_space<vmem>>) target(%dma_start3A_16 : memref<512xf32, #tpu.memory_space<hbm>>) target_semaphore(%run_scoped3A : memref<!tpu.dma_semaphore, #tpu.memory_space<semaphore_mem>>)
      %dma_wait3A_17 = tpu.memref_slice %arg4[%mul3A_2] : memref<16384xf32, #tpu.memory_space<hbm>> -> memref<512xf32, #tpu.memory_space<hbm>>
      %dma_wait3A_18 = tpu.memref_slice %arg4[%mul3A_2] : memref<16384xf32, #tpu.memory_space<hbm>> -> memref<512xf32, #tpu.memory_space<hbm>>
      tpu.wait_dma2 semaphore(%run_scoped3A : memref<!tpu.dma_semaphore, #tpu.memory_space<semaphore_mem>>) src(%arg7 : memref<512xf32, #tpu.memory_space<vmem>>) dst(%dma_wait3A_18 : memref<512xf32, #tpu.memory_space<hbm>>)
      tpu.yield
    }) : () -> ()
    return
  }
}

module attributes {stable_mosaic.version = 14 : i64} {
  func.func @_heads_body(%arg0: i32, %arg1: memref<4096x128xf32, #tpu.memory_space<vmem>>, %arg2: memref<21x16x128xf32, #tpu.memory_space<vmem>>, %arg3: memref<1x336xf32, #tpu.memory_space<vmem>>, %arg4: memref<336x21xf32, #tpu.memory_space<vmem>>, %arg5: memref<1x21xf32, #tpu.memory_space<vmem>>, %arg6: memref<4096x21xf32, #tpu.memory_space<vmem>>) attributes {dimension_semantics = [#tpu.dimension_semantics<arbitrary>], iteration_bounds = array<i64: 4>, scalar_prefetch = 0 : i64, scratch_operands = 0 : i64, tpu.core_type = #tpu.core_type<tc>, window_params = [{transform_indices = @transform_0, window_bounds = array<i64: 4096, 128>}, {pipeline_mode = #tpu.pipeline_mode<synchronous>, transform_indices = @transform_1, window_bounds = array<i64: 21, 16, 128>}, {pipeline_mode = #tpu.pipeline_mode<synchronous>, transform_indices = @transform_2, window_bounds = array<i64: 1, 336>}, {pipeline_mode = #tpu.pipeline_mode<synchronous>, transform_indices = @transform_3, window_bounds = array<i64: 336, 21>}, {pipeline_mode = #tpu.pipeline_mode<synchronous>, transform_indices = @transform_4, window_bounds = array<i64: 1, 21>}, {transform_indices = @transform_5, window_bounds = array<i64: 4096, 21>}]} {
    %get3A = arith.constant 0 : index
    %get3A_0 = arith.constant 0 : index
    %get3A_1 = arith.constant 0 : index
    %get3A_2 = vector.load %arg2[%get3A, %get3A_0, %get3A_1] : memref<21x16x128xf32, #tpu.memory_space<vmem>>, vector<21x16x128xf32>
    %reshape3A = vector.shape_cast %get3A_2 : vector<21x16x128xf32> to vector<336x128xf32>
    %get3A_3 = arith.constant 0 : index
    %get3A_4 = arith.constant 0 : index
    %get3A_5 = vector.load %arg1[%get3A_3, %get3A_4] : memref<4096x128xf32, #tpu.memory_space<vmem>>, vector<4096x128xf32>
    %dot_general3A = arith.constant dense<0.000000e+00> : vector<4096x336xf32>
    %dot_general3A_6 = tpu.matmul %get3A_5, %reshape3A, %dot_general3A {dimension_numbers = #tpu.dot_dimension_numbers<[1], [1], [0], [0], [0, 0, 1, 0], [], []>, transpose_lhs_hint = false} : vector<4096x128xf32>, vector<336x128xf32>, vector<4096x336xf32> -> vector<4096x336xf32>
    %get3A_7 = arith.constant 0 : index
    %get3A_8 = arith.constant 0 : index
    %get3A_9 = vector.load %arg3[%get3A_7, %get3A_8] : memref<1x336xf32, #tpu.memory_space<vmem>>, vector<1x336xf32>
    %add3A = vector.broadcast %get3A_9 : vector<1x336xf32> to vector<4096x336xf32>
    %add3A_10 = arith.addf %dot_general3A_6, %add3A : vector<4096x336xf32>
    %max3A = arith.constant 0.000000e+00 : f32
    %max3A_11 = vector.broadcast %max3A : f32 to vector<4096x336xf32>
    %max3A_12 = arith.maximumf %add3A_10, %max3A_11 : vector<4096x336xf32>
    %get3A_13 = arith.constant 0 : index
    %get3A_14 = arith.constant 0 : index
    %get3A_15 = vector.load %arg4[%get3A_13, %get3A_14] : memref<336x21xf32, #tpu.memory_space<vmem>>, vector<336x21xf32>
    %dot_general3A_16 = arith.constant dense<0.000000e+00> : vector<4096x21xf32>
    %dot_general3A_17 = tpu.matmul %max3A_12, %get3A_15, %dot_general3A_16 {dimension_numbers = #tpu.dot_dimension_numbers<[1], [0], [0], [1], [0, 0, 1, 1], [], []>, transpose_lhs_hint = false} : vector<4096x336xf32>, vector<336x21xf32>, vector<4096x21xf32> -> vector<4096x21xf32>
    %get3A_18 = arith.constant 0 : index
    %get3A_19 = arith.constant 0 : index
    %get3A_20 = vector.load %arg5[%get3A_18, %get3A_19] : memref<1x21xf32, #tpu.memory_space<vmem>>, vector<1x21xf32>
    %add3A_21 = vector.broadcast %get3A_20 : vector<1x21xf32> to vector<4096x21xf32>
    %add3A_22 = arith.addf %dot_general3A_17, %add3A_21 : vector<4096x21xf32>
    %max3A_23 = arith.constant 0.000000e+00 : f32
    %max3A_24 = vector.broadcast %max3A_23 : f32 to vector<4096x21xf32>
    %max3A_25 = arith.maximumf %add3A_22, %max3A_24 : vector<4096x21xf32>
    %swap3A = arith.constant 0 : index
    %swap3A_26 = arith.constant 0 : index
    %swap3A_27 = vector.load %arg6[%swap3A, %swap3A_26] : memref<4096x21xf32, #tpu.memory_space<vmem>>, vector<4096x21xf32>
    tpu.vector_store %arg6[%swap3A, %swap3A_26], %max3A_25 {strides = array<i32>} : memref<4096x21xf32, #tpu.memory_space<vmem>>, vector<4096x21xf32>,
    return
  }
  func.func @transform_0(%arg0: i32) -> (i32, i32) {
    %c0_i32 = arith.constant 0 : i32
    %c0_i32_0 = arith.constant 0 : i32
    return %arg0, %c0_i32 : i32, i32
  }
  func.func @transform_1(%arg0: i32) -> (i32, i32, i32) {
    %c0_i32 = arith.constant 0 : i32
    %c0_i32_0 = arith.constant 0 : i32
    %c0_i32_1 = arith.constant 0 : i32
    %c0_i32_2 = arith.constant 0 : i32
    return %c0_i32, %c0_i32_0, %c0_i32_1 : i32, i32, i32
  }
  func.func @transform_2(%arg0: i32) -> (i32, i32) {
    %c0_i32 = arith.constant 0 : i32
    %c0_i32_0 = arith.constant 0 : i32
    %c0_i32_1 = arith.constant 0 : i32
    return %c0_i32, %c0_i32_0 : i32, i32
  }
  func.func @transform_3(%arg0: i32) -> (i32, i32) {
    %c0_i32 = arith.constant 0 : i32
    %c0_i32_0 = arith.constant 0 : i32
    %c0_i32_1 = arith.constant 0 : i32
    return %c0_i32, %c0_i32_0 : i32, i32
  }
  func.func @transform_4(%arg0: i32) -> (i32, i32) {
    %c0_i32 = arith.constant 0 : i32
    %c0_i32_0 = arith.constant 0 : i32
    %c0_i32_1 = arith.constant 0 : i32
    return %c0_i32, %c0_i32_0 : i32, i32
  }
  func.func @transform_5(%arg0: i32) -> (i32, i32) {
    %c0_i32 = arith.constant 0 : i32
    %c0_i32_0 = arith.constant 0 : i32
    return %arg0, %c0_i32 : i32, i32
  }
}

</mosaic_0001>

<sc_bundles>
// kernel: kernel.4.cloned.1.call-start
scs
__scs_entry_jumppad:
0x0: {  	(pc) =	sbr.rel $0x88, $3  }
0x1: {  	(tag) =	ssettag $0x0;
	lr =	simm.s32 $0x1  }
0x2: {  	[smem:$0x3F9B] =	sst lr;
	_ =	strace $0xD0000000  }
0x3: {  	_ = 	snop  }
0x4: {  	_ = 	snop  }
0x5: {  	_ = 	snop  }
0x6: {  	_ = 	snop  }
0x7: {  	_ = 	snop  }
__scs_overlays_trampoline_lowered:
0x8: {  	[smem:$0x3FAA] =	sst s0  }
0x9: {  	[smem:$0x3FAB] =	sst s1  }
0xa: {  	[smem:$0x3FAC] =	sst s2  }
0xb: {  	[smem:$0x3FAD] =	sst s3  }
0xc: {  	[smem:$0x3FAE] =	sst s4  }
0xd: {  	[smem:$0x3FAF] =	sst s5  }
0xe: {  	[smem:$0x3FB0] =	sst s6  }
0xf: {  	[smem:$0x3FB1] =	sst s7  }
0x10: {  	[smem:$0x3FB2] =	sst s8  }
0x11: {  	[smem:$0x3FB3] =	sst s9;
	s0 =	simm.s32 @!p0 $0x0  }
0x12: {  	s1 =	sld [smem:$0x3F99];
	s0 =	simm.s32 @p0 $0x1  }
0x13: {  	[smem:$0x3FB4] =	sst s0;
	s0 =	simm.s32 @!p1 $0x0  }
0x14: {  	s2 =	sld [smem:$0x3F98];
	s0 =	simm.s32 @p1 $0x1  }
0x15: {  	[smem:$0x3FB5] =	sst s0;
	s0 =	simm.s32 @!p2 $0x0  }
0x16: {  	s3 =	sld [smem:$0x3FDB];
	s0 =	simm.s32 @p2 $0x1  }
0x17: {  	s4 =	simm.s32 $0x1BF5;
	[smem:$0x3FB7] =	sst s0  }
0x18: {  	s0 =	sld [smem:$0x3F9A];
	_ =	swait.ge [sflag:s4], $0x0  }
0x19: {  	s7 =	sld [smem:$0x3F9B]  }
0x1a: {  	s8 =	sadd.s32 $0xFFFFE003, lr  }
0x1b: {  	s9 =	sadd.s32 $0xFFFFFEF7, lr;
	s5 =	simm.s32 $0xFFFFFFFF;
	p2 =	slt.u32 s8, $0xFFFFF086  }
0x1c: {  	p1 =	slt.u32 s9, $0xF7A;
	s5 =	simm.s32 @!p2 $0x0  }
0x1d: {  	s5 =	simm.s32 @p1 $0x1;
	p0 =	seq.s32 s7, s2  }
0x1e: {  	s7 =	smul.u32 @!p0 $0xF7A, s2;
	p2 =	seq.s32 @!p0 s5, $0x0  }
0x1f: {  	s9 =	smul.u32 $0xF7A, s1;
	s8 =	simm.s32 @!p0 $0x1BF5;
	p2 =	por !p2, p0  }
0x20: {  	[sflag:s8] =	ssyncset.s32 @!p0 $0xFFFFF086;
	s6 =	sadd.s32 @!p0 s3, s7;
	s7 =	simm.s32 @!p0 $0x108  }
0x21: {  	s3 =	sadd.s32 s3, s9;
	s6 =	sadd.s32 @!p0 $0x88, s6;
	s7 =	simm.s32 @p2 $0x1082  }
0x22: {  	[simem:s7], [sflag:s8] =	dma.local @!p0 [hbm:s6], $0xF7A  }
0x23: {  	s9 =	sor.u32 $0xD0000000, s2;
	s6 =	simm.s32 $0x108;
	_ =	swait.ge @!p0 [sflag:s8], $0x0  }
0x24: {  	s3 =	sadd.s32 $0x88, s3;
	s6 =	simm.s32 @!p1 $0x1082;
	[sflag:s4] =	ssyncset.s32 $0xFFFFF086  }
0x25: {  	[simem:s6], [sflag:s4] =	dma.local [hbm:s3], $0xF7A  }
0x26: {  	[smem:$0x3F9B] =	sst s1;
	(tag) =	ssettag s2;
	_ =	strace s9  }
0x27: {  	s1 =	sld [smem:$0x3FAB]  }
0x28: {  	s2 =	sld [smem:$0x3FAC]  }
0x29: {  	s4 =	sld [smem:$0x3FAE]  }
0x2a: {  	p0 =	seq.s32 s5, $0x0;
	s5 =	sld [smem:$0x3FAF]  }
0x2b: {  	s6 =	sld [smem:$0x3FB0]  }
0x2c: {  	s7 =	sld [smem:$0x3FB1]  }
0x2d: {  	s3 =	simm.s32 $0x108;
	s8 =	sld [smem:$0x3FB2]  }
0x2e: {  	s3 =	simm.s32 @!p0 $0x1082;
	s9 =	sld [smem:$0x3FB3]  }
0x2f: {  	lr =	sadd.s32 s0, s3;
	s0 =	sld [smem:$0x3FAA]  }
0x30: {  	s3 =	sld [smem:$0x3FAD]  }
0x31: {  	[smem:$0x3FB6] =	sst s10  }
0x32: {  	s10 =	sld [smem:$0x3FB4];
	_ =	sdelay $0x3  }
0x33: {  	p0 =	seq.s32 s10, $0x1;
	s10 =	sld [smem:$0x3FB6];
	_ =	sdelay $0x3  }
0x34: {  	[smem:$0x3FB6] =	sst s10  }
0x35: {  	s10 =	sld [smem:$0x3FB5];
	_ =	sdelay $0x3  }
0x36: {  	p1 =	seq.s32 s10, $0x1;
	s10 =	sld [smem:$0x3FB6];
	_ =	sdelay $0x3  }
0x37: {  	[smem:$0x3FB6] =	sst s10  }
0x38: {  	s10 =	sld [smem:$0x3FB7]  }
0x39: {  	_ = 	snop;
	(pc) =	sbr.ind lr, $3  }
0x3a: {  	_ = 	snop  }
0x3b: {  	_ = 	snop  }
0x3c: {  	p2 =	seq.s32 s10, $0x1;
	s10 =	sld [smem:$0x3FB6]  }
0x3d: {  	_ =	shalt  }
0x3e: {  	_ =	shalt  }
0x3f: {  	_ =	shalt  }
0x40: {  	_ =	shalt  }
0x41: {  	_ =	shalt  }
0x42: {  	_ =	shalt  }
0x43: {  	_ =	shalt  }
0x44: {  	_ =	shalt  }
0x45: {  	_ =	shalt  }
0x46: {  	_ =	shalt  }
0x47: {  	_ =	shalt  }
0x48: {  	_ =	shalt  }
0x49: {  	_ =	shalt  }
0x4a: {  	_ =	shalt  }
0x4b: {  	_ =	shalt  }
0x4c: {  	_ =	shalt  }
0x4d: {  	_ =	shalt  }
0x4e: {  	_ =	shalt  }
0x4f: {  	_ =	shalt  }
0x50: {  	_ =	shalt  }
0x51: {  	_ =	shalt  }
0x52: {  	_ =	shalt  }
0x53: {  	_ =	shalt  }
0x54: {  	_ =	shalt  }
0x55: {  	_ =	shalt  }
0x56: {  	_ =	shalt  }
0x57: {  	_ =	shalt  }
0x58: {  	_ =	shalt  }
0x59: {  	_ =	shalt  }
0x5a: {  	_ =	shalt  }
0x5b: {  	_ =	shalt  }
0x5c: {  	_ =	shalt  }
0x5d: {  	_ =	shalt  }
0x5e: {  	_ =	shalt  }
0x5f: {  	_ =	shalt  }
0x60: {  	_ =	shalt  }
0x61: {  	_ =	shalt  }
0x62: {  	_ =	shalt  }
0x63: {  	_ =	shalt  }
0x64: {  	_ =	shalt  }
0x65: {  	_ =	shalt  }
0x66: {  	_ =	shalt  }
0x67: {  	_ =	shalt  }
0x68: {  	_ =	shalt  }
0x69: {  	_ =	shalt  }
0x6a: {  	_ =	shalt  }
0x6b: {  	_ =	shalt  }
0x6c: {  	_ =	shalt  }
0x6d: {  	_ =	shalt  }
0x6e: {  	_ =	shalt  }
0x6f: {  	_ =	shalt  }
0x70: {  	_ =	shalt  }
0x71: {  	_ =	shalt  }
0x72: {  	_ =	shalt  }
0x73: {  	_ =	shalt  }
0x74: {  	_ =	shalt  }
0x75: {  	_ =	shalt  }
0x76: {  	_ =	shalt  }
0x77: {  	_ =	shalt  }
0x78: {  	_ =	shalt  }
0x79: {  	_ =	shalt  }
0x7a: {  	_ =	shalt  }
0x7b: {  	_ =	shalt  }
0x7c: {  	_ =	shalt  }
0x7d: {  	_ =	shalt  }
0x7e: {  	_ =	shalt  }
0x7f: {  	_ =	shalt  }
0x80: {  	_ =	shalt  }
0x81: {  	_ =	shalt  }
0x82: {  	_ =	shalt  }
0x83: {  	_ =	shalt  }
0x84: {  	_ =	shalt  }
0x85: {  	_ =	shalt  }
0x86: {  	_ =	shalt  }
0x87: {  	_ =	shalt  }
.Lfunc_end0:
.L_simem_size_0:
called_computation_lowered:
.L_overlay_start_0:
0x88: {  	s2 =	sld [smem:$0x3FD9]  }
0x89: {  	s3 =	sld [smem:$0x3FFE];
	_ =	sdelay $0x1  }
0x8a: {  	s1 =	srdreg.scid  }
0x8b: {  	s0 =	sand.u32 $0x1, s1  }
0x8c: {  	s17 =	sshll.u32 s0, $0xA;
	s2 =	sadd.s32 s3, s2  }
0x8d: {  	s2 =	sadd.s32 s2, s17  }
0x8e: {  	[smem:$0x3FC2] =	sst s2  }
0x8f: {  	_ = 	snop  }
0x90: {  	s2 =	sld [smem:$0x3FC8]  }
0x91: {  	s18 =	sld [smem:$0x3FD0];
	(tm) =	ssettm $0x1  }
0x92: {  	s4 =	sld [smem:$0x3FFB];
	_ =	sdelay $0x3  }
0x93: {  	_ =	strace s4  }
0x94: {  	s4 =	sld [smem:$0x3FFC];
	_ =	sdelay $0x3  }
0x95: {  	_ =	strace s4  }
0x96: {  	s4 =	sld [smem:$0x3FFD];
	_ =	sdelay $0x3  }
0x97: {  	_ =	strace s4  }
0x98: {  	_ =	strace $0x8FFFFFFF  }
0x99: {  	s19 =	sld [smem:$0x3FDB];
	_ =	sdelay $0x1  }
0x9a: {  	s5 =	simm.s32 $_scs_section_size  }
0x9b: {  	s6 =	simm.s32 $_size__tile_overlayer_lowered;
	s7 =	simm.s32 $_tile_overlayer_lowered  }
0x9c: {  	s22 =	simm.s32 $0x1BFF;
	s21 =	sshll.u32 s7, $0x1;
	s4 =	sadd.s32 s5, s19  }
0x9d: {  	s8 =	simm.s32 $0x0;
	s20 =	sshll.u32 s6, $0x1;
	s6 =	sadd.s32 s21, s4  }
0x9e: {  	[timem:s8], [sflag:s22] =	dma.local [hbm:s6], s20  }
0x9f: {  	_ =	swait.ge [sflag:s22], s20  }
0xa0: {  	s5 =	ssub.s32 $0x0, s20;
	[sflag:s22] =	ssyncset.done $0x0  }
0xa1: {  	[sflag:s22] =	ssyncadd.s32 s5;
	_ =	sdelay $0x1  }
0xa2: {  	s23 =	simm.s32 $0x1B8B  }
0xa3: {  	_ =	swait.ge [sflag:s23], $0x1  }
0xa4: {  	[sflag:s23] =	ssyncset.done $0x0  }
0xa5: {  	s25 =	simm.s32 $0x1B8E;
	s24 =	sld [smem:$0x3FFE];
	[sflag:s23] =	ssyncadd.s32 $0xFFFFFFFF  }
0xa6: {  	s26 =	simm.s32 $execute0_lowered;
	[smem:$0x3FD2] =	sst s25  }
0xa7: {  	s6 =	sshll.u32 s26, $0x1;
	_ =	strace $0x80000046;
	[dreg:$0x1] =	wrdreg $0xFFFFFFFF  }
0xa8: {  	s28 =	simm.s32 $_size_execute0_lowered;
	s4 =	sadd.s32 s4, s6;
	[dreg:$0x0] =	wrdreg $0x0  }
0xa9: {  	s6 =	sshll.u32 s28, $0x1;
	[dreg:$0x2] =	wrdreg s4  }
0xaa: {  	[dreg:$0x3] =	wrdreg s6  }
0xab: {  	[dreg:$0x4] =	wrdreg $0xC0  }
0xac: {  	_ =	task [dreg:s8], $0x5FFFF  }
0xad: {  	[dreg:$0x1] =	wrdreg $0xFFFFFFFF  }
0xae: {  	[dreg:$0x0] =	wrdreg $0x60  }
0xaf: {  	[dreg:$0x2] =	wrdreg s24  }
0xb0: {  	[dreg:$0x3] =	wrdreg s2  }
0xb1: {  	[dreg:$0x4] =	wrdreg s18  }
0xb2: {  	[dreg:$0x5] =	wrdreg $0x9  }
0xb3: {  	_ =	task.clear_ibuf [dreg:s8], $0x6FFFF;
	_ =	strace $0x90000046  }
0xb4: {  	s29 =	simm.s32 $0x9;
	_ =	strace $0x80000048  }
0xb5: {  	_ =	swait.ge [sflag:s29], $0x1  }
0xb6: {  	[sflag:s29] =	ssyncadd.s32 $0xFFFFFFFF  }
0xb7: {  	_ =	strace $0x90000048  }
0xb8: {  	_ =	sfence  }
0xb9: {  	s30 =	sld [smem:$0x0];
	_ =	sdelay $0x2  }
0xba: {  	s31 =	sshll.u32 s1, $0xD;
	s1 =	sshrl.u32 s1, $0x2  }
0xbb: {  	s3 =	sand.u32 $0x4000, s31;
	s1 =	sadd.s32 s1, s30  }
0xbc: {  	s0 =	sor.u32 s3, s0;
	s1 =	sshll.u32 s1, $0x11  }
0xbd: {  	s0 =	sor.u32 s1, s0  }
0xbe: {  	s0 =	sadd.s32 $0x8F2B, s0  }
0xbf: {  	[sflag:s0] =	ssyncadd.remote.s32 $0x1  }
0xc0: {  	_ =	sfence.sel $0xFFFF  }
0xc1: {  	[dreg:$0x0] =	wrdreg $0xFFFFFFFF;
	(pc) =	sbr.abs _section_cstart, $3  }
0xc2: {  	[dreg:$0x1] =	wrdreg $0xFFFFFFFF  }
0xc3: {  	_ =	task.clear_ibuf [dreg:s8], $0x2FFFF;
	_ =	strace $0x9FFFFFFF  }
0xc4: {  	(tm) =	ssettm $0x7FFFFFFF  }
0xc5: {  	_ =	shalt  }
tec
execute0_lowered:
.L_overlay_start_1:
0x0: {  	(tag) =	ssettag $0x1  }
0x1: {  	s3 =	rddreg [dreg:$0x0]  }
0x2: {  	s4 =	rddreg [dreg:$0x1]  }
0x3: {  	s5 =	rddreg [dreg:$0x2];
	s2 =	srdreg.scid  }
0x4: {  	s0 =	rddreg [dreg:$0x3];
	s1 =	stileid.u32;
	s10 =	simm.s32 $0x2  }
0x5: {  	s11 =	simm.s32 $0x0;
	s6 =	sand.u32 $0x1, s2;
	s2 =	simm.s32 $0x0  }
0x6: {  	s7 =	sshll.u32 s1, $0xA;
	s8 =	sshll.u32 s6, $0x9;
	s6 =	ssub.s32 $0x2, s6  }
0x7: {  	[smem:$0x7FF] =	sst s2;
	s7 =	sor.u32 s8, s7;
	s9 =	sshrl.u32 s6, $0x1  }
0x8: {  	_ =	strace $0x80000047;
	s8 =	sshll.u32 s7, $0x4;
	s6 =	ssub.s32 s6, s9  }
0x9: {  	s7 =	sshrl.u32 s7, $0x3;
	s9 =	simm.s32 $0x10200;
	s8 =	sadd.s32 s8, s3  }
0xa: {  	v0 =	vlaneseq.u32;
	s3 =	sadd.s32 s4, s7;
	s5 =	sadd.s32 s5, s7;
	s6 =	smax.u32 s6, $0x1  }
0xb: {  	v0 =	vmul.u32 $0x80, v0;
	s7 =	simm.s32 $0x200;
	s4 =	sadd.s32 $0xC00, s8;
	s8 =	simm.s32 $0x1  }
.LBB2_1:
0xc: {  	[tilespmem:s2], [sflag:$0x1] =	stream.linear.gather [hbm4b:s3+s2], $0x200, $0x38;
	[tilespmem:$0x10400] =	vst v63  }
0xd: {  	_ = 	snop  }
0xe: {  	[tilespmem:s7], [sflag:$0x1] =	stream.linear.gather [hbm4b:s4+s2], $0x10000, $0x38;
	[tilespmem:$0x10400] =	vst v63  }
0xf: {  	_ =	swait.ge [sflag:s8], $0x200  }
0x10: {  	[sflag:s8] =	ssyncset.done $0x0  }
0x11: {  	[sflag:s8] =	ssyncadd.s32 $0xFFFFFE00  }
0x12: {  	_ =	swait.ge [sflag:s8], $0x10000  }
0x13: {  	s12 =	simm.s32 $0x40;
	s13 =	simm.s32 $0x20;
	[sflag:s8] =	ssyncset.done $0x0  }
0x14: {  	s14 =	simm.s32 $0x10;
	v3 =	vmov s2;
	s18 =	simm.s32 $0x30;
	[sflag:s8] =	ssyncadd.s32 $0xFFFF0000  }
0x15: {  	s19 =	simm.s32 $0x60;
	s20 =	simm.s32 $0x50;
	s15 =	simm.s32 $0x70;
	v2 =	vmov s13;
	v4 =	vmov s14;
	v5 =	vmov s18;
	v1 =	vld [tilespmem:s12+$0xFFFFFFC0]  }
0x16: {  	s21 =	simm.s32 $0x40;
	s31 =	simm.s32 $0xC0;
	v7 =	vmov s19;
	v9 =	vmov s20;
	v10 =	vmov s15;
	v6 =	vld [tilespmem:s12+$0x30]  }
0x17: {  	v13 =	vmov s21;
	v3 =	vshll.u32 v3, $0x7;
	v62 =	vmov s31;
	v8 =	vld [tilespmem:s12+$0x10]  }
0x18: {  	v2 =	vshll.u32 v2, $0x7;
	v4 =	vshll.u32 v4, $0x7;
	v5 =	vshll.u32 v5, $0x7;
	v12 =	vld [tilespmem:s12+$0x20]  }
0x19: {  	s23 =	simm.s32 $0xC0;
	v9 =	vshll.u32 v9, $0x7;
	v13 =	vshll.u32 v13, $0x7;
	v7 =	vshll.u32 v7, $0x7;
	v14 =	vld [tilespmem:s12+$0x0]  }
0x1a: {  	v10 =	vshll.u32 v10, $0x7;
	v3 =	vor.u32 v0, v3;
	v2 =	vor.u32 v0, v2;
	v23 =	vld [tilespmem:s23+$0x0]  }
0x1b: {  	v4 =	vor.u32 v0, v4;
	v5 =	vor.u32 v0, v5;
	v9 =	vor.u32 v0, v9;
	v21 =	vld [tilespmem:s23+$0x20]  }
0x1c: {  	v13 =	vor.u32 v0, v13;
	v7 =	vor.u32 v0, v7;
	v10 =	vor.u32 v0, v10;
	v15 =	vld [tilespmem:s12+$0xFFFFFFF0]  }
0x1d: {  	v16 =	vld [tilespmem:s12+$0xFFFFFFD0];
	v11 =	vand.u32 $0x7F, v1;
	v1 =	vand.u32 $0xFFFFFF80, v1;
	v17 =	vand.u32 $0x7F, v6  }
0x1e: {  	v18 =	vand.u32 $0xFFFFFF80, v8;
	v6 =	vand.u32 $0xFFFFFF80, v6;
	v20 =	vand.u32 $0xFFFFFF80, v12  }
0x1f: {  	v12 =	vand.u32 $0x7F, v12;
	v8 =	vand.u32 $0x7F, v8;
	v29 =	vand.u32 $0xFFFFFF80, v23  }
0x20: {  	v19 =	vld [tilespmem:s12+$0xFFFFFFE0];
	v30 =	vand.u32 $0xFFFFFF80, v21;
	v21 =	vand.u32 $0x7F, v21;
	v1 =	vadd.s32 v3, v1  }
0x21: {  	v3 =	vand.u32 $0xFFFFFF80, v14;
	v6 =	vadd.s32 v10, v6;
	v10 =	vand.u32 $0xFFFFFF80, v15  }
0x22: {  	v9 =	vadd.s32 v9, v18;
	v18 =	vand.u32 $0xFFFFFF80, v16;
	v16 =	vand.u32 $0x7F, v16  }
0x23: {  	v7 =	vadd.s32 v7, v20;
	v8 =	vor.u32 v8, v9;
	v6 =	vor.u32 v17, v6  }
0x24: {  	v1 =	vor.u32 v11, v1;
	v5 =	vadd.s32 v5, v10;
	v9 =	vand.u32 $0x7F, v14  }
0x25: {  	s25 =	simm.s32 $0xA0;
	s28 =	simm.s32 $0xE0;
	v10 =	vand.u32 $0x7F, v15;
	v3 =	vadd.s32 v13, v3;
	v11 =	vand.u32 $0xFFFFFF80, v19  }
0x26: {  	v14 =	vmov s25;
	v4 =	vadd.s32 v4, v18;
	v17 =	vmov s28  }
0x27: {  	s24 =	simm.s32 $0x90;
	v10 =	vor.u32 v10, v5;
	v5 =	vor.u32 v12, v7;
	v12 =	vand.u32 $0x7F, v19  }
0x28: {  	s26 =	simm.s32 $0xB0;
	v63 =	vld [tilespmem:s23+$0xFFFFFFF0];
	v9 =	vor.u32 v9, v3;
	v3 =	vmov s24;
	v2 =	vadd.s32 v2, v11  }
0x29: {  	s30 =	simm.s32 $0xF0;
	v13 =	vld [tilespmem:s23+$0xFFFFFFC0];
	v3 =	vshll.u32 v3, $0x7;
	v15 =	vor.u32 v12, v2;
	v2 =	vmov s26  }
0x2a: {  	s22 =	simm.s32 $0x80;
	v18 =	vmov s30;
	v12 =	vshll.u32 v2, $0x7;
	v2 =	vor.u32 v0, v3;
	v3 =	vld [tilespmem:s23+$0x10]  }
0x2b: {  	s29 =	simm.s32 $0xD0;
	v7 =	vmov s22;
	v11 =	vshll.u32 v14, $0x7;
	v4 =	vor.u32 v16, v4;
	v14 =	vld.idx.msk [tilespmem:v1+s7+$0x0], $0xffff  }
0x2c: {  	v16 =	vmov s29;
	v17 =	vshll.u32 v17, $0x7;
	v1 =	vor.u32 v0, v11;
	v11 =	vld [tilespmem:s23+$0x30]  }
0x2d: {  	v18 =	vshll.u32 v18, $0x7;
	v16 =	vshll.u32 v16, $0x7;
	v7 =	vshll.u32 v7, $0x7;
	v8 =	vld.idx.msk [tilespmem:v8+s7+$0x0], $0xffff  }
0x2e: {  	v24 =	vld [tilespmem:s23+$0xFFFFFFD0];
	v17 =	vor.u32 v0, v17;
	v18 =	vor.u32 v0, v18;
	v16 =	vor.u32 v0, v16  }
0x2f: {  	v7 =	vor.u32 v0, v7;
	v22 =	vor.u32 v0, v12;
	v12 =	vshll.u32 v62, $0x7;
	v28 =	vld.idx.msk [tilespmem:v6+s7+$0x0], $0xffff  }
0x30: {  	v17 =	vadd.s32 v17, v30;
	v19 =	vand.u32 $0x7F, v13;
	v26 =	vor.u32 v0, v12;
	v25 =	vld.idx.msk [tilespmem:v5+s7+$0x0], $0xffff  }
0x31: {  	s12 =	simm.s32 $0x10240;
	v5 =	vld [tilespmem:s23+$0xFFFFFFE0];
	v12 =	vand.u32 $0xFFFFFF80, v3;
	v27 =	vand.u32 $0x7F, v11;
	v11 =	vand.u32 $0xFFFFFF80, v11  }
0x32: {  	v3 =	vand.u32 $0x7F, v3;
	[tilespmem:s12+$0x10] =	vst v8;
	v8 =	vadd.s32 v16, v12;
	v11 =	vadd.s32 v18, v11;
	v18 =	vld.idx.msk [tilespmem:v4+s7+$0x0], $0xffff  }
0x33: {  	v13 =	vand.u32 $0xFFFFFF80, v13;
	v6 =	vand.u32 $0xFFFFFF80, v24;
	v12 =	vor.u32 v3, v8;
	v8 =	vld.idx.msk [tilespmem:v10+s7+$0x0], $0xffff  }
0x34: {  	v13 =	vadd.s32 v7, v13;
	v7 =	vand.u32 $0x7F, v24;
	[tilespmem:s12+$0xFFFFFFC0] =	vst v14;
	v14 =	vand.u32 $0x7F, v23;
	v10 =	vld.idx.msk [tilespmem:v15+s7+$0x0], $0xffff  }
0x35: {  	v9 =	vld.idx.msk [tilespmem:v9+s7+$0x0], $0xffff;
	[tilespmem:s12+$0x30] =	vst v28;
	v4 =	vand.u32 $0xFFFFFF80, v63;
	v3 =	vor.u32 v27, v11;
	v11 =	vor.u32 v19, v13  }
0x36: {  	s16 =	simm.s32 $0x10340;
	[tilespmem:s12+$0x20] =	vst v25;
	v15 =	vadd.s32 v26, v29;
	v4 =	vadd.s32 v22, v4;
	v13 =	vand.u32 $0x7F, v63  }
0x37: {  	s13 =	simm.s32 $0x102C0;
	s14 =	simm.s32 $0x100;
	s15 =	simm.s32 $0x140;
	v16 =	vand.u32 $0xFFFFFF80, v5;
	v4 =	vor.u32 v13, v4;
	v13 =	vor.u32 v21, v17;
	[tilespmem:s12+$0xFFFFFFD0] =	vst v18  }
.LBB2_2:
0x38: {  	v17 =	vld [tilespmem:s15+$0xFFFFFFC0];
	v18 =	vmov s14;
	s17 =	sadd.s32 $0x10, s14;
	s18 =	sadd.s32 $0x20, s14;
	s19 =	sadd.s32 $0x50, s14;
	v5 =	vand.u32 $0x7F, v5;
	v14 =	vor.u32 v14, v15;
	[tilespmem:s12+$0xFFFFFFF0] =	vst v8  }
0x39: {  	p0 =	slt.u32 s14, $0x180;
	v1 =	vadd.s32 v1, v16;
	v8 =	vmov s17;
	v15 =	vmov s18;
	v12 =	vld.idx.msk [tilespmem:v12+s7+$0x0], $0xffff;
	[tilespmem:s12+$0xFFFFFFE0] =	vst v10;
	s17 =	smov.u32 s14;
	s14 =	sadd.s32 $0x80, s14  }
0x3a: {  	v8 =	vshll.u32 v8, $0x7;
	v10 =	vshll.u32 v15, $0x7;
	s18 =	sadd.s32 $0x30, s17;
	s20 =	sadd.s32 $0x60, s17;
	v11 =	vld.idx.msk [tilespmem:v11+s7+$0x0], $0xffff;
	v15 =	vor.u32 v5, v1;
	[tilespmem:s12+$0x0] =	vst v9;
	s12 =	smov.u32 s13  }
0x3b: {  	v2 =	vadd.s32 v2, v6;
	s13 =	smov.u32 s16;
	v1 =	vor.u32 v0, v10;
	v5 =	vmov s18;
	v9 =	vld [tilespmem:s15+$0x30];
	s18 =	sadd.s32 $0x70, s17  }
0x3c: {  	v7 =	vor.u32 v7, v2;
	v6 =	vmov s20;
	v5 =	vshll.u32 v5, $0x7;
	v10 =	vld.idx.msk [tilespmem:v13+s7+$0x0], $0xffff  }
0x3d: {  	v2 =	vor.u32 v0, v8;
	s17 =	sadd.s32 $0x40, s17;
	v8 =	vmov s19;
	v16 =	vmov s18;
	v13 =	vld [tilespmem:s15+$0x10]  }
0x3e: {  	v20 =	vmov s17;
	v8 =	vshll.u32 v8, $0x7;
	v19 =	vand.u32 $0x7F, v17;
	v21 =	vld [tilespmem:s15+$0x20]  }
0x3f: {  	v6 =	vshll.u32 v6, $0x7;
	v22 =	vor.u32 v0, v5;
	v20 =	vshll.u32 v20, $0x7;
	v23 =	vld [tilespmem:s15+$0x0];
	[tilespmem:s12+$0x10] =	vst v12  }
0x40: {  	v5 =	vshll.u32 v18, $0x7;
	v12 =	vor.u32 v0, v8;
	v8 =	vshll.u32 v16, $0x7;
	v18 =	vld [tilespmem:s15+$0xFFFFFFF0];
	[tilespmem:s12+$0xFFFFFFC0] =	vst v11  }
0x41: {  	v16 =	vor.u32 v0, v5;
	v11 =	vand.u32 $0xFFFFFF80, v17;
	v17 =	vld [tilespmem:s15+$0xFFFFFFD0]  }
0x42: {  	v24 =	vor.u32 v0, v6;
	v20 =	vor.u32 v0, v20;
	v25 =	vand.u32 $0x7F, v9;
	v5 =	vld [tilespmem:s15+$0xFFFFFFE0];
	[tilespmem:s12+$0x20] =	vst v10  }
0x43: {  	v6 =	vand.u32 $0xFFFFFF80, v9;
	v8 =	vor.u32 v0, v8;
	v10 =	vand.u32 $0xFFFFFF80, v13;
	v26 =	vld.idx.msk [tilespmem:v3+s7+$0x0], $0xffff  }
0x44: {  	v11 =	vadd.s32 v16, v11;
	v3 =	vadd.s32 v8, v6;
	v16 =	vand.u32 $0xFFFFFF80, v23;
	v27 =	vld.idx.msk [tilespmem:v7+s7+$0x0], $0xffff  }
0x45: {  	v29 =	vand.u32 $0xFFFFFF80, v21;
	v21 =	vand.u32 $0x7F, v21;
	v28 =	vand.u32 $0xFFFFFF80, v18;
	v8 =	vld.idx.msk [tilespmem:v4+s7+$0x0], $0xffff  }
.Ltmp0:
0x46: {  	v9 =	vadd.s32 v12, v10;
	v4 =	vand.u32 $0x7F, v13;
	v6 =	vand.u32 $0xFFFFFF80, v17;
	v10 =	vld.idx.msk [tilespmem:v15+s7+$0x0], $0xffff;
	(pc) =	sbr.rel @p0 .LBB2_2-.Ltmp0, $4  }
0x47: {  	v3 =	vor.u32 v25, v3;
	v7 =	vand.u32 $0x7F, v17;
	v12 =	vor.u32 v4, v9;
	v9 =	vld.idx.msk [tilespmem:v14+s7+$0x0], $0xffff  }
0x48: {  	v11 =	vor.u32 v19, v11;
	v4 =	vadd.s32 v22, v28;
	v14 =	vand.u32 $0x7F, v23  }
0x49: {  	v13 =	vand.u32 $0x7F, v18;
	v15 =	vadd.s32 v20, v16;
	v17 =	vadd.s32 v24, v29;
	[tilespmem:s12+$0x30] =	vst v26  }
0x4a: {  	s16 =	sadd.s32 $0x80, s16;
	s15 =	sadd.s32 $0x80, s15;
	v16 =	vand.u32 $0xFFFFFF80, v5;
	v4 =	vor.u32 v13, v4;
	v13 =	vor.u32 v21, v17;
	[tilespmem:s12+$0xFFFFFFD0] =	vst v27  }
0x4b: {  	_ =	sdelay $0x3  }
0x4c: {  	v2 =	vadd.s32 v2, v6;
	v60 =	vld.idx.msk [tilespmem:v12+s7+$0x0], $0xffff;
	v62 =	vor.u32 v14, v15  }
0x4d: {  	v5 =	vand.u32 $0x7F, v5;
	v1 =	vadd.s32 v1, v16;
	v61 =	vld.idx.msk [tilespmem:v11+s7+$0x0], $0xffff;
	v2 =	vor.u32 v7, v2  }
0x4e: {  	[tilespmem:s12+$0xFFFFFFF0] =	vst v8;
	v63 =	vld.idx.msk [tilespmem:v13+s7+$0x0], $0xffff;
	v1 =	vor.u32 v5, v1  }
0x4f: {  	[tilespmem:s12+$0xFFFFFFE0] =	vst v10;
	v3 =	vld.idx.msk [tilespmem:v3+s7+$0x0], $0xffff  }
0x50: {  	v4 =	vld.idx.msk [tilespmem:v4+s7+$0x0], $0xffff;
	[tilespmem:s12+$0x0] =	vst v9  }
0x51: {  	[tilespmem:s13+$0x10] =	vst v60;
	v5 =	vld.idx.msk [tilespmem:v62+s7+$0x0], $0xffff  }
0x52: {  	[tilespmem:s13+$0xFFFFFFC0] =	vst v61;
	v2 =	vld.idx.msk [tilespmem:v2+s7+$0x0], $0xffff  }
0x53: {  	[tilespmem:s13+$0x20] =	vst v63;
	v1 =	vld.idx.msk [tilespmem:v1+s7+$0x0], $0xffff  }
0x54: {  	[tilespmem:s13+$0x30] =	vst v3  }
0x55: {  	[tilespmem:s13+$0xFFFFFFF0] =	vst v4  }
0x56: {  	s11 =	sadd.s32 $0x1, s11;
	[tilespmem:s13+$0x0] =	vst v5  }
0x57: {  	p0 =	sne.s32 s11, s6;
	[tilespmem:s13+$0xFFFFFFD0] =	vst v2  }
.Ltmp1:
0x58: {  	[tilespmem:s13+$0xFFFFFFE0] =	vst v1;
	(pc) =	sbr.rel @p0 .LBB2_1-.Ltmp1, $4  }
0x59: {  	[hbm4b:s5+s2] =	stream.linear.scatter [tilespmem:s9], [sflag:$0x2], $0x200, $0x38;
	[tilespmem:$0x10400] =	vst v63  }
0x5a: {  	_ =	swait.ge [sflag:s10], $0x200  }
0x5b: {  	[sflag:s10] =	ssyncset.done $0x0  }
0x5c: {  	[sflag:s10] =	ssyncadd.s32 $0xFFFFFE00  }
0x5d: {  	_ =	sfence.sel $0x180000  }
0x5e: {  	[bflag:$0x0] =	sbarrier.arrive $0xFFFF  }
0x5f: {  	p0 =	sne.s32 s1, $0x0;
	_ =	strace $0x90000047  }
0x60: {  	s0 =	sadd.s32 @!p0 $0x100000, s0;
	[bflag:$0x2] =	sbarrier.arrive $0xFFFF  }
0x61: {  	[sflag:s0] =	ssyncadd.tile.s32 @!p0 $0x1;
	_ =	shalt  }
.Lfunc_end2:
_tile_overlayer_lowered:
.L_overlay_start_2:
0x62: {  	(tag) =	ssettag $0x2  }
0x63: {  	s0 =	rddreg [dreg:$0x0];
	s2 =	stileid.u32  }
0x64: {  	s1 =	rddreg [dreg:$0x1];
	p0 =	sne.s32 s2, $0x0  }
0x65: {  	s3 =	rddreg [dreg:$0x2];
	[bflag:$0x3] =	sbarrier.arrive $0xFFFF;
	s2 =	simm.s32 @!p0 $0x1C02  }
0x66: {  	[timem:s3], [sflag:s2] =	dma.local @!p0 [hbm:s0], s1  }
0x67: {  	s0 =	simm.s32 @!p0 $0x2  }
0x68: {  	_ =	swait.ge @!p0 [sflag:s0], s1  }
0x69: {  	s1 =	ssub.s32 @!p0 $0x0, s1;
	[sflag:s0] =	ssyncset.done @!p0 $0x0  }
0x6a: {  	[sflag:s0] =	ssyncadd.s32 @!p0 s1  }
0x6b: {  	[bflag:$0x3] =	sbarrier.arrive $0xFFFF  }
0x6c: {  	_ =	shalt  }

</sc_bundles>
